<compile_context>
chip_gen: v7x
topology: tpu7x:2x2x1
jax: 0.10.2.dev20260603
libtpu: 0.0.44.dev20260713+nightly
codegen_flags: <defaults>
</compile_context>

<pallas_src>
import functools

import jax
import jax.numpy as jnp
from jax import lax
from jax.experimental import pallas as pl
from jax.experimental.pallas import tpu as pltpu
from jax.experimental.pallas import tpu_sc as plsc

_B, _OBS, _HID, _LAT, _V = 8192, 512, 1024, 64, 8192
_EPS = 1e-5
_BT_ENC = 256
_BT_DEC = 2048
_NW = 32
_BPW = _B // _NW
_KAUG = 72


def _enc_argmin_body(x_ref, w1_ref, b1_ref, g_ref, bln_ref, w2_ref, b2_ref,
                     embt_ref, lat_ref, idx_ref, aug_ref, w1b_ref, w2b_ref):
    @pl.when(pl.program_id(0) == 0)
    def _prep():
        w1b_ref[...] = w1_ref[...].astype(jnp.bfloat16)
        w2b_ref[...] = w2_ref[...].astype(jnp.bfloat16)
        embt = embt_ref[...]
        aug_ref[0:_LAT, :] = (embt * -2.0).astype(jnp.bfloat16)
        aug_ref[_LAT:_LAT + 1, :] = jnp.ones((1, _V), jnp.bfloat16)
        esq = jnp.sum(embt * embt, axis=0, keepdims=True)
        aug_ref[_LAT + 1:_LAT + 2, :] = (esq + 1.0).astype(jnp.bfloat16)
        aug_ref[_LAT + 2:_KAUG, :] = jnp.zeros((_KAUG - _LAT - 2, _V),
                                               jnp.bfloat16)

    h = jnp.dot(x_ref[...].astype(jnp.bfloat16), w1b_ref[...],
                preferred_element_type=jnp.float32)
    h = h + b1_ref[...]
    mu = jnp.mean(h, axis=1, keepdims=True)
    var = jnp.mean((h - mu) ** 2, axis=1, keepdims=True)
    h = (h - mu) / jnp.sqrt(var + _EPS) * g_ref[...] + bln_ref[...]
    h = jnp.maximum(h, 0.0)
    lat = jnp.dot(h.astype(jnp.bfloat16), w2b_ref[...],
                  preferred_element_type=jnp.float32)
    lat = lat + b2_ref[...]
    lat_ref[...] = lat
    lsq = jnp.sum(lat * lat, axis=1, keepdims=True)
    lat_aug = jnp.concatenate(
        [lat, lsq, jnp.ones((_BT_ENC, 1), jnp.float32),
         jnp.zeros((_BT_ENC, _KAUG - _LAT - 2), jnp.float32)], axis=1)
    d2p = jnp.dot(lat_aug.astype(jnp.bfloat16), aug_ref[...],
                  preferred_element_type=jnp.float32)
    ii = lax.broadcasted_iota(jnp.int32, d2p.shape, 1)
    bits = lax.bitcast_convert_type(d2p, jnp.int32)
    key = lax.bitcast_convert_type((bits & jnp.int32(-8192)) | ii,
                                   jnp.float32)
    kmin = jnp.min(key, axis=1)
    idx_ref[...] = lax.bitcast_convert_type(kmin, jnp.int32) & 8191


def _encode_and_argmin(x, emb_t, W1, b1, ln_g, ln_b, W2, b2):
    b = x.shape[0]
    nb = b // _BT_ENC
    return pl.pallas_call(
        _enc_argmin_body,
        grid=(nb,),
        in_specs=[
            pl.BlockSpec((_BT_ENC, _OBS), lambda i: (i, 0)),
            pl.BlockSpec((_OBS, _HID), lambda i: (0, 0)),
            pl.BlockSpec((1, _HID), lambda i: (0, 0)),
            pl.BlockSpec((1, _HID), lambda i: (0, 0)),
            pl.BlockSpec((1, _HID), lambda i: (0, 0)),
            pl.BlockSpec((_HID, _LAT), lambda i: (0, 0)),
            pl.BlockSpec((1, _LAT), lambda i: (0, 0)),
            pl.BlockSpec((_LAT, _V), lambda i: (0, 0)),
        ],
        out_specs=[
            pl.BlockSpec((_BT_ENC, _LAT), lambda i: (i, 0)),
            pl.BlockSpec((_BT_ENC,), lambda i: (i,)),
        ],
        out_shape=[
            jax.ShapeDtypeStruct((b, _LAT), jnp.float32),
            jax.ShapeDtypeStruct((b,), jnp.int32),
        ],
        scratch_shapes=[pltpu.VMEM((_KAUG, _V), jnp.bfloat16),
                        pltpu.VMEM((_OBS, _HID), jnp.bfloat16),
                        pltpu.VMEM((_HID, _LAT), jnp.bfloat16)],
    )(x, W1, b1.reshape(1, _HID), ln_g.reshape(1, _HID), ln_b.reshape(1, _HID),
      W2, b2.reshape(1, _LAT), emb_t)


def _gather_rows_sc(emb_W, idx):
    b = idx.shape[0]
    bpw = b // _NW
    mesh = plsc.VectorSubcoreMesh(core_axis_name="c", subcore_axis_name="s")

    @functools.partial(
        pl.kernel, mesh=mesh,
        compiler_params=pltpu.CompilerParams(use_tc_tiling_on_sc=False),
        out_type=jax.ShapeDtypeStruct((b, _LAT), jnp.float32),
        scratch_types=[
            pltpu.VMEM((bpw,), jnp.int32),
            pltpu.VMEM((bpw, _LAT), jnp.float32),
            pltpu.VMEM_SHARED((_V, _LAT), jnp.float32),
            pltpu.SemaphoreType.DMA,
        ],
    )
    def k(table_hbm, idx_hbm, out_hbm, idx_v, rows_v, table_sp, sem):
        sid = lax.axis_index("s")
        wid = sid * 2 + lax.axis_index("c")
        base = wid * bpw

        @pl.when(sid == 0)
        def _stage():
            pltpu.sync_copy(table_hbm, table_sp)

        pltpu.sync_copy(idx_hbm.at[pl.ds(base, bpw)], idx_v)
        plsc.subcore_barrier()
        pltpu.async_copy(table_sp.at[idx_v], rows_v, sem).wait()
        pltpu.sync_copy(rows_v, out_hbm.at[pl.ds(base, bpw)])

    return k(emb_W, idx)


def _dec_loss_body(x_ref, lat_ref, q_ref, w3_ref, b3_ref, w4_ref, b4_ref,
                   out_ref, acc_ref, w3b_ref, w4b_ref):
    i = pl.program_id(0)

    @pl.when(i == 0)
    def _init():
        acc_ref[0] = 0.0
        acc_ref[1] = 0.0
        w3b_ref[...] = w3_ref[...].astype(jnp.bfloat16)
        w4b_ref[...] = w4_ref[...].astype(jnp.bfloat16)

    lat = lat_ref[...]
    qst = lat + (q_ref[...] - lat)
    d = jnp.dot(qst.astype(jnp.bfloat16), w3b_ref[...],
                preferred_element_type=jnp.float32)
    d = jnp.maximum(d + b3_ref[...], 0.0)
    rec = jnp.dot(d.astype(jnp.bfloat16), w4b_ref[...],
                  preferred_element_type=jnp.float32)
    rec = rec + b4_ref[...]
    dx = rec - x_ref[...]
    dq = qst - lat
    acc_ref[0] += jnp.sum(dx * dx)
    acc_ref[1] += jnp.sum(dq * dq)

    @pl.when(i == pl.num_programs(0) - 1)
    def _fin():
        out_ref[0, 0] = (0.5 * acc_ref[0] / (_B * _OBS)
                         + 1.5 * acc_ref[1] / (_B * _LAT))


def _decode_and_loss(x, latent, quantised, W3, b3, W4, b4):
    nb = x.shape[0] // _BT_DEC
    out = pl.pallas_call(
        _dec_loss_body,
        grid=(nb,),
        in_specs=[
            pl.BlockSpec((_BT_DEC, _OBS), lambda i: (i, 0)),
            pl.BlockSpec((_BT_DEC, _LAT), lambda i: (i, 0)),
            pl.BlockSpec((_BT_DEC, _LAT), lambda i: (i, 0)),
            pl.BlockSpec((_LAT, _HID), lambda i: (0, 0)),
            pl.BlockSpec((1, _HID), lambda i: (0, 0)),
            pl.BlockSpec((_HID, _OBS), lambda i: (0, 0)),
            pl.BlockSpec((1, _OBS), lambda i: (0, 0)),
        ],
        out_specs=pl.BlockSpec(memory_space=pltpu.SMEM),
        out_shape=jax.ShapeDtypeStruct((1, 1), jnp.float32),
        scratch_shapes=[pltpu.SMEM((2,), jnp.float32),
                        pltpu.VMEM((_LAT, _HID), jnp.bfloat16),
                        pltpu.VMEM((_HID, _OBS), jnp.bfloat16)],
    )(x, latent, quantised, W3, b3.reshape(1, _HID), W4, b4.reshape(1, _OBS))
    return out[0, 0]


def kernel(x, emb_W, W1, b1, ln_g, ln_b, W2, b2, W3, b3, W4, b4):
    latent, idx = _encode_and_argmin(x, emb_W.T, W1, b1, ln_g, ln_b, W2, b2)
    quantised = _gather_rows_sc(emb_W, idx)
    return _decode_and_loss(x, latent, quantised, W3, b3, W4, b4)

# --- scband reference (transcript-rebuilt; emitter-appended) ---
"""Pipeline reference for scband-aim-75144747810999 (READ-ONLY COPY).

The authoritative reference and input builder live on the scoring server;
editing this copy changes nothing except your own understanding.
"""

import jax, jax.numpy as jnp
import numpy as np

OBS_DIM = 512
HIDDEN = 1024
LATENT = 64
VOCAB = 8192
BATCH = 8192
COMMIT = 0.5


def setup_inputs(seed: int = 0) -> dict:
    key = jax.random.key(seed)
    ks = jax.random.split(key, 8)
    x = jax.random.normal(ks[0], (BATCH, OBS_DIM), dtype=jnp.float32)
    emb_W = jax.random.uniform(ks[1], (VOCAB, LATENT), dtype=jnp.float32, minval=-0.5, maxval=0.5)
    W1 = jax.random.normal(ks[2], (OBS_DIM, HIDDEN), dtype=jnp.float32) * (1.0 / np.sqrt(OBS_DIM))
    b1 = jnp.zeros((HIDDEN,), dtype=jnp.float32)
    ln_g = jnp.ones((HIDDEN,), dtype=jnp.float32)
    ln_b = jnp.zeros((HIDDEN,), dtype=jnp.float32)
    W2 = jax.random.normal(ks[3], (HIDDEN, LATENT), dtype=jnp.float32) * (1.0 / np.sqrt(HIDDEN))
    b2 = jnp.zeros((LATENT,), dtype=jnp.float32)
    W3 = jax.random.normal(ks[4], (LATENT, HIDDEN), dtype=jnp.float32) * (1.0 / np.sqrt(LATENT))
    b3 = jnp.zeros((HIDDEN,), dtype=jnp.float32)
    W4 = jax.random.normal(ks[5], (HIDDEN, OBS_DIM), dtype=jnp.float32) * (1.0 / np.sqrt(HIDDEN))
    b4 = jnp.zeros((OBS_DIM,), dtype=jnp.float32)
    return {"x": x, "emb_W": emb_W, "W1": W1, "b1": b1, "ln_g": ln_g, "ln_b": ln_b,
            "W2": W2, "b2": b2, "W3": W3, "b3": b3, "W4": W4, "b4": b4}


def _layernorm(h, g, b, eps=1e-5):
    mu = jnp.mean(h, axis=-1, keepdims=True)
    var = jnp.mean((h - mu) ** 2, axis=-1, keepdims=True)
    return (h - mu) / jnp.sqrt(var + eps) * g + b


def reference(x, emb_W, W1, b1, ln_g, ln_b, W2, b2, W3, b3, W4, b4):
    # encoder: Linear -> LayerNorm -> ReLU -> Linear
    h = x @ W1 + b1
    h = _layernorm(h, ln_g, ln_b)
    h = jax.nn.relu(h)
    latent = h @ W2 + b2
    # cdist p=2 between latent [B, L] and codebook [K, L]
    d2 = (jnp.sum(latent ** 2, axis=-1, keepdims=True)
          + jnp.sum(emb_W ** 2, axis=-1)[None, :]
          - 2.0 * (latent @ emb_W.T))
    distances = jnp.sqrt(jnp.clip(d2, 0.0))
    min_distance_index = jnp.argmin(distances, axis=-1)
    quantised = jnp.take(emb_W, min_distance_index, axis=0)
    # straight-through estimator
    quantised_st = latent + jax.lax.stop_gradient(quantised - latent)
    # decoder: Linear -> ReLU -> Linear
    d = jax.nn.relu(quantised_st @ W3 + b3)
    reconstructed = d @ W4 + b4
    recon_loss = jnp.mean((reconstructed - x) ** 2)
    codebook_loss = jnp.mean((jax.lax.stop_gradient(quantised_st) - latent) ** 2)
    commitment_loss = jnp.mean((quantised_st - jax.lax.stop_gradient(latent)) ** 2)
    total_loss = recon_loss * 0.5 + codebook_loss + commitment_loss * COMMIT
    return total_loss

if __name__ == "__main__":
    import jax
    _d = setup_inputs()
    print(jax.jit(kernel)(*tuple(_d.values())))

</pallas_src>

<mosaic_0001>
#map = affine_map<(d0, d1) -> (0, 0)>
#map1 = affine_map<(d0, d1) -> (0)>
module attributes {stable_mosaic.version = 14 : i64} {
  func.func @k(%arg0: i32, %arg1: i32, %arg2: memref<8192x64xf32, #tpu.memory_space<hbm>>, %arg3: memref<8192xi32, #tpu.memory_space<hbm>>, %arg4: memref<8192x64xf32, #tpu.memory_space<hbm>>, %arg5: memref<256xi32, #tpu.memory_space<vmem>>, %arg6: memref<256x64xf32, #tpu.memory_space<vmem>>, %arg7: memref<8192x64xf32, #tpu.memory_space<vmem_shared>>, %arg8: memref<!tpu.dma_semaphore, #tpu.memory_space<semaphore_mem>>) attributes {dimension_semantics = [#tpu.dimension_semantics<core_parallel>, #tpu.dimension_semantics<subcore_parallel>], iteration_bounds = array<i64: 2, 16>, scalar_prefetch = 0 : i64, scratch_operands = 4 : i64, tpu.core_type = #tpu.core_type<sc_vector_subcore>, window_params = [{transform_indices = #map}, {transform_indices = #map1}, {transform_indices = #map}]} {
    %mul3A = arith.constant 2 : i32
    %mul3A_0 = arith.muli %arg1, %mul3A : i32
    %add3A = arith.addi %mul3A_0, %arg0 : i32
    %mul3A_1 = arith.constant 256 : i32
    %mul3A_2 = arith.muli %add3A, %mul3A_1 : i32
    %eq3A = arith.constant 0 : i32
    %eq3A_3 = arith.cmpi eq, %arg1, %eq3A : i32
    %convert_element_type3A = arith.extui %eq3A_3 : i1 to i32
    %cond3A = arith.constant 0 : i32
    %cond3A_4 = arith.cmpi ne, %convert_element_type3A, %cond3A : i32
    scf.if %cond3A_4 {
      "tpu.region"() ({
        %run_scoped3A = tpu.sem_alloc : memref<!tpu.dma_semaphore, #tpu.memory_space<semaphore_mem>>
        tpu.enqueue_dma source(%arg2 : memref<8192x64xf32, #tpu.memory_space<hbm>>) target(%arg7 : memref<8192x64xf32, #tpu.memory_space<vmem_shared>>) target_semaphore(%run_scoped3A : memref<!tpu.dma_semaphore, #tpu.memory_space<semaphore_mem>>)
        tpu.wait_dma2 semaphore(%run_scoped3A : memref<!tpu.dma_semaphore, #tpu.memory_space<semaphore_mem>>) src(%arg2 : memref<8192x64xf32, #tpu.memory_space<hbm>>) dst(%arg7 : memref<8192x64xf32, #tpu.memory_space<vmem_shared>>)
        tpu.yield
      }) : () -> ()
    } else {
    }
    "tpu.region"() ({
      %run_scoped3A = tpu.sem_alloc : memref<!tpu.dma_semaphore, #tpu.memory_space<semaphore_mem>>
      %dma_start3A_9 = tpu.memref_slice %arg3[%mul3A_2] : memref<8192xi32, #tpu.memory_space<hbm>> -> memref<256xi32, #tpu.memory_space<hbm>>
      %dma_start3A_10 = tpu.memref_slice %arg3[%mul3A_2] : memref<8192xi32, #tpu.memory_space<hbm>> -> memref<256xi32, #tpu.memory_space<hbm>>
      tpu.enqueue_dma source(%dma_start3A_10 : memref<256xi32, #tpu.memory_space<hbm>>) target(%arg5 : memref<256xi32, #tpu.memory_space<vmem>>) target_semaphore(%run_scoped3A : memref<!tpu.dma_semaphore, #tpu.memory_space<semaphore_mem>>)
      %dma_wait3A_11 = tpu.memref_slice %arg3[%mul3A_2] : memref<8192xi32, #tpu.memory_space<hbm>> -> memref<256xi32, #tpu.memory_space<hbm>>
      %dma_wait3A_12 = tpu.memref_slice %arg3[%mul3A_2] : memref<8192xi32, #tpu.memory_space<hbm>> -> memref<256xi32, #tpu.memory_space<hbm>>
      tpu.wait_dma2 semaphore(%run_scoped3A : memref<!tpu.dma_semaphore, #tpu.memory_space<semaphore_mem>>) src(%dma_wait3A_12 : memref<256xi32, #tpu.memory_space<hbm>>) dst(%arg5 : memref<256xi32, #tpu.memory_space<vmem>>)
      tpu.yield
    }) : () -> ()
    %barrier3A = arith.constant 0 : index
    tpu.barrier barrier_id(%barrier3A)
    %dma_start3A = arith.constant 0 : i32
    %dma_start3A_5 = arith.constant 0 : i32
    %dma_start3A_6 = tpu.memref_slice %arg7[%dma_start3A, %dma_start3A_5] : memref<8192x64xf32, #tpu.memory_space<vmem_shared>> -> memref<8192x64xf32, #tpu.memory_space<vmem_shared>>
    tpu.enqueue_indirect_dma source(%dma_start3A_6 : memref<8192x64xf32, #tpu.memory_space<vmem_shared>>) target(%arg6 : memref<256x64xf32, #tpu.memory_space<vmem>>) offsets(%arg5 : memref<256xi32, #tpu.memory_space<vmem>>) semaphore(%arg8 : memref<!tpu.dma_semaphore, #tpu.memory_space<semaphore_mem>>)
    %dma_wait3A = arith.constant 0 : i32
    %dma_wait3A_7 = arith.constant 0 : i32
    %dma_wait3A_8 = tpu.memref_slice %arg7[%dma_wait3A, %dma_wait3A_7] : memref<8192x64xf32, #tpu.memory_space<vmem_shared>> -> memref<8192x64xf32, #tpu.memory_space<vmem_shared>>
    tpu.wait_indirect_dma semaphore(%arg8 : memref<!tpu.dma_semaphore, #tpu.memory_space<semaphore_mem>>) src(%dma_wait3A_8 : memref<8192x64xf32, #tpu.memory_space<vmem_shared>>) dst(%arg6 : memref<256x64xf32, #tpu.memory_space<vmem>>)
    "tpu.region"() ({
      %run_scoped3A = tpu.sem_alloc : memref<!tpu.dma_semaphore, #tpu.memory_space<semaphore_mem>>
      %dma_start3A_9 = arith.constant 0 : i32
      %dma_start3A_10 = tpu.memref_slice %arg4[%mul3A_2, %dma_start3A_9] : memref<8192x64xf32, #tpu.memory_space<hbm>> -> memref<256x64xf32, #tpu.memory_space<hbm>>
      %dma_start3A_11 = arith.constant 0 : i32
      %dma_start3A_12 = tpu.memref_slice %arg4[%mul3A_2, %dma_start3A_11] : memref<8192x64xf32, #tpu.memory_space<hbm>> -> memref<256x64xf32, #tpu.memory_space<hbm>>
      tpu.enqueue_dma source(%arg6 : memref<256x64xf32, #tpu.memory_space<vmem>>) target(%dma_start3A_12 : memref<256x64xf32, #tpu.memory_space<hbm>>) target_semaphore(%run_scoped3A : memref<!tpu.dma_semaphore, #tpu.memory_space<semaphore_mem>>)
      %dma_wait3A_13 = arith.constant 0 : i32
      %dma_wait3A_14 = tpu.memref_slice %arg4[%mul3A_2, %dma_wait3A_13] : memref<8192x64xf32, #tpu.memory_space<hbm>> -> memref<256x64xf32, #tpu.memory_space<hbm>>
      %dma_wait3A_15 = arith.constant 0 : i32
      %dma_wait3A_16 = tpu.memref_slice %arg4[%mul3A_2, %dma_wait3A_15] : memref<8192x64xf32, #tpu.memory_space<hbm>> -> memref<256x64xf32, #tpu.memory_space<hbm>>
      tpu.wait_dma2 semaphore(%run_scoped3A : memref<!tpu.dma_semaphore, #tpu.memory_space<semaphore_mem>>) src(%arg6 : memref<256x64xf32, #tpu.memory_space<vmem>>) dst(%dma_wait3A_16 : memref<256x64xf32, #tpu.memory_space<hbm>>)
      tpu.yield
    }) : () -> ()
    return
  }
}

module attributes {stable_mosaic.version = 14 : i64} {
  func.func @_enc_argmin_body(%arg0: i32, %arg1: memref<256x512xf32, #tpu.memory_space<vmem>>, %arg2: memref<512x1024xf32, #tpu.memory_space<vmem>>, %arg3: memref<1x1024xf32, #tpu.memory_space<vmem>>, %arg4: memref<1x1024xf32, #tpu.memory_space<vmem>>, %arg5: memref<1x1024xf32, #tpu.memory_space<vmem>>, %arg6: memref<1024x64xf32, #tpu.memory_space<vmem>>, %arg7: memref<1x64xf32, #tpu.memory_space<vmem>>, %arg8: memref<64x8192xf32, #tpu.memory_space<vmem>>, %arg9: memref<256x64xf32, #tpu.memory_space<vmem>>, %arg10: memref<256xi32, #tpu.memory_space<vmem>>, %arg11: memref<72x8192xbf16, #tpu.memory_space<vmem>>, %arg12: memref<512x1024xbf16, #tpu.memory_space<vmem>>, %arg13: memref<1024x64xbf16, #tpu.memory_space<vmem>>) attributes {dimension_semantics = [#tpu.dimension_semantics<arbitrary>], iteration_bounds = array<i64: 32>, scalar_prefetch = 0 : i64, scratch_operands = 3 : i64, tpu.core_type = #tpu.core_type<tc>, window_params = [{transform_indices = @transform_0, window_bounds = array<i64: 256, 512>}, {pipeline_mode = #tpu.pipeline_mode<synchronous>, transform_indices = @transform_1, window_bounds = array<i64: 512, 1024>}, {pipeline_mode = #tpu.pipeline_mode<synchronous>, transform_indices = @transform_2, window_bounds = array<i64: 1, 1024>}, {pipeline_mode = #tpu.pipeline_mode<synchronous>, transform_indices = @transform_3, window_bounds = array<i64: 1, 1024>}, {pipeline_mode = #tpu.pipeline_mode<synchronous>, transform_indices = @transform_4, window_bounds = array<i64: 1, 1024>}, {pipeline_mode = #tpu.pipeline_mode<synchronous>, transform_indices = @transform_5, window_bounds = array<i64: 1024, 64>}, {pipeline_mode = #tpu.pipeline_mode<synchronous>, transform_indices = @transform_6, window_bounds = array<i64: 1, 64>}, {pipeline_mode = #tpu.pipeline_mode<synchronous>, transform_indices = @transform_7, window_bounds = array<i64: 64, 8192>}, {transform_indices = @transform_8, window_bounds = array<i64: 256, 64>}, {transform_indices = @transform_9, window_bounds = array<i64: 256>}]} {
    %eq3A = arith.constant 0 : i32
    %eq3A_0 = arith.cmpi eq, %arg0, %eq3A : i32
    %convert_element_type3A = arith.extui %eq3A_0 : i1 to i32
    %cond3A = arith.constant 0 : i32
    %cond3A_1 = arith.cmpi ne, %convert_element_type3A, %cond3A : i32
    scf.if %cond3A_1 {
      %get3A_78 = arith.constant 0 : index
      %get3A_79 = arith.constant 0 : index
      %get3A_80 = vector.load %arg2[%get3A_78, %get3A_79] : memref<512x1024xf32, #tpu.memory_space<vmem>>, vector<512x1024xf32>
      %convert_element_type3A_81 = arith.truncf %get3A_80 : vector<512x1024xf32> to vector<512x1024xbf16>
      %swap3A_82 = arith.constant 0 : index
      %swap3A_83 = arith.constant 0 : index
      %swap3A_84 = vector.load %arg12[%swap3A_82, %swap3A_83] : memref<512x1024xbf16, #tpu.memory_space<vmem>>, vector<512x1024xbf16>
      tpu.vector_store %arg12[%swap3A_82, %swap3A_83], %convert_element_type3A_81 {strides = array<i32>} : memref<512x1024xbf16, #tpu.memory_space<vmem>>, vector<512x1024xbf16>,
      %get3A_85 = arith.constant 0 : index
      %get3A_86 = arith.constant 0 : index
      %get3A_87 = vector.load %arg6[%get3A_85, %get3A_86] : memref<1024x64xf32, #tpu.memory_space<vmem>>, vector<1024x64xf32>
      %convert_element_type3A_88 = arith.truncf %get3A_87 : vector<1024x64xf32> to vector<1024x64xbf16>
      %swap3A_89 = arith.constant 0 : index
      %swap3A_90 = arith.constant 0 : index
      %swap3A_91 = vector.load %arg13[%swap3A_89, %swap3A_90] : memref<1024x64xbf16, #tpu.memory_space<vmem>>, vector<1024x64xbf16>
      tpu.vector_store %arg13[%swap3A_89, %swap3A_90], %convert_element_type3A_88 {strides = array<i32>} : memref<1024x64xbf16, #tpu.memory_space<vmem>>, vector<1024x64xbf16>,
      %get3A_92 = arith.constant 0 : index
      %get3A_93 = arith.constant 0 : index
      %get3A_94 = vector.load %arg8[%get3A_92, %get3A_93] : memref<64x8192xf32, #tpu.memory_space<vmem>>, vector<64x8192xf32>
      %mul3A_95 = arith.constant -2.000000e+00 : f32
      %mul3A_96 = vector.broadcast %mul3A_95 : f32 to vector<64x8192xf32>
      %mul3A_97 = arith.mulf %get3A_94, %mul3A_96 : vector<64x8192xf32>
      %convert_element_type3A_98 = arith.truncf %mul3A_97 : vector<64x8192xf32> to vector<64x8192xbf16>
      %swap3A_99 = arith.constant 0 : index
      %swap3A_100 = arith.constant 0 : index
      %swap3A_101 = vector.load %arg11[%swap3A_99, %swap3A_100] : memref<72x8192xbf16, #tpu.memory_space<vmem>>, vector<64x8192xbf16>
      tpu.vector_store %arg11[%swap3A_99, %swap3A_100], %convert_element_type3A_98 {strides = array<i32>} : memref<72x8192xbf16, #tpu.memory_space<vmem>>, vector<64x8192xbf16>,
      %broadcast_in_dim3A_102 = arith.constant 1.000000e+00 : bf16
      %broadcast_in_dim3A_103 = vector.broadcast %broadcast_in_dim3A_102 : bf16 to vector<1x8192xbf16>
      %swap3A_104 = arith.constant 64 : index
      %swap3A_105 = arith.constant 0 : index
      %swap3A_106 = vector.load %arg11[%swap3A_104, %swap3A_105] : memref<72x8192xbf16, #tpu.memory_space<vmem>>, vector<1x8192xbf16>
      tpu.vector_store %arg11[%swap3A_104, %swap3A_105], %broadcast_in_dim3A_103 {strides = array<i32>} : memref<72x8192xbf16, #tpu.memory_space<vmem>>, vector<1x8192xbf16>,
      %mul3A_107 = arith.mulf %get3A_94, %get3A_94 : vector<64x8192xf32>
      %reduce_sum3A_108 = arith.constant dense<0.000000e+00> : vector<8192xf32>
      %reduce_sum3A_109 = vector.multi_reduction <add>, %mul3A_107, %reduce_sum3A_108 [0] : vector<64x8192xf32> to vector<8192xf32>
      %broadcast_in_dim3A_110 = vector.shape_cast %reduce_sum3A_109 : vector<8192xf32> to vector<1x8192xf32>
      %add3A_111 = arith.constant 1.000000e+00 : f32
      %add3A_112 = vector.broadcast %add3A_111 : f32 to vector<1x8192xf32>
      %add3A_113 = arith.addf %broadcast_in_dim3A_110, %add3A_112 : vector<1x8192xf32>
      %convert_element_type3A_114 = arith.truncf %add3A_113 : vector<1x8192xf32> to vector<1x8192xbf16>
      %swap3A_115 = arith.constant 65 : index
      %swap3A_116 = arith.constant 0 : index
      %swap3A_117 = vector.load %arg11[%swap3A_115, %swap3A_116] : memref<72x8192xbf16, #tpu.memory_space<vmem>>, vector<1x8192xbf16>
      tpu.vector_store %arg11[%swap3A_115, %swap3A_116], %convert_element_type3A_114 {strides = array<i32>} : memref<72x8192xbf16, #tpu.memory_space<vmem>>, vector<1x8192xbf16>,
      %broadcast_in_dim3A_118 = arith.constant 0.000000e+00 : bf16
      %broadcast_in_dim3A_119 = vector.broadcast %broadcast_in_dim3A_118 : bf16 to vector<6x8192xbf16>
      %swap3A_120 = arith.constant 66 : index
      %swap3A_121 = arith.constant 0 : index
      %swap3A_122 = vector.load %arg11[%swap3A_120, %swap3A_121] : memref<72x8192xbf16, #tpu.memory_space<vmem>>, vector<6x8192xbf16>
      tpu.vector_store %arg11[%swap3A_120, %swap3A_121], %broadcast_in_dim3A_119 {strides = array<i32>} : memref<72x8192xbf16, #tpu.memory_space<vmem>>, vector<6x8192xbf16>,
    } else {
    }
    %get3A = arith.constant 0 : index
    %get3A_2 = arith.constant 0 : index
    %get3A_3 = vector.load %arg1[%get3A, %get3A_2] : memref<256x512xf32, #tpu.memory_space<vmem>>, vector<256x512xf32>
    %convert_element_type3A_4 = arith.truncf %get3A_3 : vector<256x512xf32> to vector<256x512xbf16>
    %get3A_5 = arith.constant 0 : index
    %get3A_6 = arith.constant 0 : index
    %get3A_7 = vector.load %arg12[%get3A_5, %get3A_6] : memref<512x1024xbf16, #tpu.memory_space<vmem>>, vector<512x1024xbf16>
    %dot_general3A = arith.constant dense<0.000000e+00> : vector<256x1024xf32>
    %dot_general3A_8 = tpu.matmul %convert_element_type3A_4, %get3A_7, %dot_general3A {dimension_numbers = #tpu.dot_dimension_numbers<[1], [0], [0], [1], [0, 0, 1, 1], [], []>, transpose_lhs_hint = false} : vector<256x512xbf16>, vector<512x1024xbf16>, vector<256x1024xf32> -> vector<256x1024xf32>
    %get3A_9 = arith.constant 0 : index
    %get3A_10 = arith.constant 0 : index
    %get3A_11 = vector.load %arg3[%get3A_9, %get3A_10] : memref<1x1024xf32, #tpu.memory_space<vmem>>, vector<1x1024xf32>
    %add3A = vector.broadcast %get3A_11 : vector<1x1024xf32> to vector<256x1024xf32>
    %add3A_12 = arith.addf %dot_general3A_8, %add3A : vector<256x1024xf32>
    %reduce_sum3A = arith.constant dense<0.000000e+00> : vector<256xf32>
    %reduce_sum3A_13 = vector.multi_reduction <add>, %add3A_12, %reduce_sum3A [1] : vector<256x1024xf32> to vector<256xf32>
    %broadcast_in_dim3A = vector.shape_cast %reduce_sum3A_13 : vector<256xf32> to vector<256x1xf32>
    %div3A = arith.constant 1.024000e+03 : f32
    %div3A_14 = vector.broadcast %div3A : f32 to vector<256x1xf32>
    %div3A_15 = arith.divf %broadcast_in_dim3A, %div3A_14 : vector<256x1xf32>
    %sub3A = vector.broadcast %div3A_15 : vector<256x1xf32> to vector<256x1024xf32>
    %sub3A_16 = arith.subf %add3A_12, %sub3A : vector<256x1024xf32>
    %integer_pow3A = arith.mulf %sub3A_16, %sub3A_16 : vector<256x1024xf32>
    %reduce_sum3A_17 = arith.constant dense<0.000000e+00> : vector<256xf32>
    %reduce_sum3A_18 = vector.multi_reduction <add>, %integer_pow3A, %reduce_sum3A_17 [1] : vector<256x1024xf32> to vector<256xf32>
    %broadcast_in_dim3A_19 = vector.shape_cast %reduce_sum3A_18 : vector<256xf32> to vector<256x1xf32>
    %div3A_20 = arith.constant 1.024000e+03 : f32
    %div3A_21 = vector.broadcast %div3A_20 : f32 to vector<256x1xf32>
    %div3A_22 = arith.divf %broadcast_in_dim3A_19, %div3A_21 : vector<256x1xf32>
    %sub3A_23 = vector.broadcast %div3A_15 : vector<256x1xf32> to vector<256x1024xf32>
    %sub3A_24 = arith.subf %add3A_12, %sub3A_23 : vector<256x1024xf32>
    %add3A_25 = arith.constant 9.99999974E-6 : f32
    %add3A_26 = vector.broadcast %add3A_25 : f32 to vector<256x1xf32>
    %add3A_27 = arith.addf %div3A_22, %add3A_26 : vector<256x1xf32>
    %sqrt3A = math.sqrt %add3A_27 : vector<256x1xf32>
    %div3A_28 = vector.broadcast %sqrt3A : vector<256x1xf32> to vector<256x1024xf32>
    %div3A_29 = arith.divf %sub3A_24, %div3A_28 : vector<256x1024xf32>
    %get3A_30 = arith.constant 0 : index
    %get3A_31 = arith.constant 0 : index
    %get3A_32 = vector.load %arg4[%get3A_30, %get3A_31] : memref<1x1024xf32, #tpu.memory_space<vmem>>, vector<1x1024xf32>
    %mul3A = vector.broadcast %get3A_32 : vector<1x1024xf32> to vector<256x1024xf32>
    %mul3A_33 = arith.mulf %div3A_29, %mul3A : vector<256x1024xf32>
    %get3A_34 = arith.constant 0 : index
    %get3A_35 = arith.constant 0 : index
    %get3A_36 = vector.load %arg5[%get3A_34, %get3A_35] : memref<1x1024xf32, #tpu.memory_space<vmem>>, vector<1x1024xf32>
    %add3A_37 = vector.broadcast %get3A_36 : vector<1x1024xf32> to vector<256x1024xf32>
    %add3A_38 = arith.addf %mul3A_33, %add3A_37 : vector<256x1024xf32>
    %max3A = arith.constant 0.000000e+00 : f32
    %max3A_39 = vector.broadcast %max3A : f32 to vector<256x1024xf32>
    %max3A_40 = arith.maximumf %add3A_38, %max3A_39 : vector<256x1024xf32>
    %convert_element_type3A_41 = arith.truncf %max3A_40 : vector<256x1024xf32> to vector<256x1024xbf16>
    %get3A_42 = arith.constant 0 : index
    %get3A_43 = arith.constant 0 : index
    %get3A_44 = vector.load %arg13[%get3A_42, %get3A_43] : memref<1024x64xbf16, #tpu.memory_space<vmem>>, vector<1024x64xbf16>
    %dot_general3A_45 = arith.constant dense<0.000000e+00> : vector<256x64xf32>
    %dot_general3A_46 = tpu.matmul %convert_element_type3A_41, %get3A_44, %dot_general3A_45 {dimension_numbers = #tpu.dot_dimension_numbers<[1], [0], [0], [1], [0, 0, 1, 1], [], []>, transpose_lhs_hint = false} : vector<256x1024xbf16>, vector<1024x64xbf16>, vector<256x64xf32> -> vector<256x64xf32>
    %get3A_47 = arith.constant 0 : index
    %get3A_48 = arith.constant 0 : index
    %get3A_49 = vector.load %arg7[%get3A_47, %get3A_48] : memref<1x64xf32, #tpu.memory_space<vmem>>, vector<1x64xf32>
    %add3A_50 = vector.broadcast %get3A_49 : vector<1x64xf32> to vector<256x64xf32>
    %add3A_51 = arith.addf %dot_general3A_46, %add3A_50 : vector<256x64xf32>
    %swap3A = arith.constant 0 : index
    %swap3A_52 = arith.constant 0 : index
    %swap3A_53 = vector.load %arg9[%swap3A, %swap3A_52] : memref<256x64xf32, #tpu.memory_space<vmem>>, vector<256x64xf32>
    tpu.vector_store %arg9[%swap3A, %swap3A_52], %add3A_51 {strides = array<i32>} : memref<256x64xf32, #tpu.memory_space<vmem>>, vector<256x64xf32>,
    %mul3A_54 = arith.mulf %add3A_51, %add3A_51 : vector<256x64xf32>
    %reduce_sum3A_55 = arith.constant dense<0.000000e+00> : vector<256xf32>
    %reduce_sum3A_56 = vector.multi_reduction <add>, %mul3A_54, %reduce_sum3A_55 [1] : vector<256x64xf32> to vector<256xf32>
    %broadcast_in_dim3A_57 = vector.shape_cast %reduce_sum3A_56 : vector<256xf32> to vector<256x1xf32>
    %broadcast_in_dim3A_58 = arith.constant 1.000000e+00 : f32
    %broadcast_in_dim3A_59 = vector.broadcast %broadcast_in_dim3A_58 : f32 to vector<256x1xf32>
    %broadcast_in_dim3A_60 = arith.constant 0.000000e+00 : f32
    %broadcast_in_dim3A_61 = vector.broadcast %broadcast_in_dim3A_60 : f32 to vector<256x6xf32>
    %concatenate3A = tpu.concatenate %add3A_51, %broadcast_in_dim3A_57, %broadcast_in_dim3A_59, %broadcast_in_dim3A_61 in 1 : vector<256x64xf32>, vector<256x1xf32>, vector<256x1xf32>, vector<256x6xf32> -> vector<256x72xf32>
    %convert_element_type3A_62 = arith.truncf %concatenate3A : vector<256x72xf32> to vector<256x72xbf16>
    %get3A_63 = arith.constant 0 : index
    %get3A_64 = arith.constant 0 : index
    %get3A_65 = vector.load %arg11[%get3A_63, %get3A_64] : memref<72x8192xbf16, #tpu.memory_space<vmem>>, vector<72x8192xbf16>
    %dot_general3A_66 = arith.constant dense<0.000000e+00> : vector<256x8192xf32>
    %dot_general3A_67 = tpu.matmul %convert_element_type3A_62, %get3A_65, %dot_general3A_66 {dimension_numbers = #tpu.dot_dimension_numbers<[1], [0], [0], [1], [0, 0, 1, 1], [], []>, transpose_lhs_hint = false} : vector<256x72xbf16>, vector<72x8192xbf16>, vector<256x8192xf32> -> vector<256x8192xf32>
    %iota3A = tpu.iota {dimensions = array<i32: 1>} : vector<256x8192xi32>
    %bitcast_convert_type3A = tpu.bitcast %dot_general3A_67 : vector<256x8192xf32> -> vector<256x8192xi32>
    %and3A = arith.constant -8192 : i32
    %and3A_68 = vector.broadcast %and3A : i32 to vector<256x8192xi32>
    %and3A_69 = arith.andi %bitcast_convert_type3A, %and3A_68 : vector<256x8192xi32>
    %or3A = arith.ori %and3A_69, %iota3A : vector<256x8192xi32>
    %bitcast_convert_type3A_70 = tpu.bitcast %or3A : vector<256x8192xi32> -> vector<256x8192xf32>
    %reduce_min3A = arith.constant dense<0x7F800000> : vector<256xf32>
    %reduce_min3A_71 = vector.multi_reduction <minimumf>, %bitcast_convert_type3A_70, %reduce_min3A [1] : vector<256x8192xf32> to vector<256xf32>
    %bitcast_convert_type3A_72 = tpu.bitcast %reduce_min3A_71 : vector<256xf32> -> vector<256xi32>
    %and3A_73 = arith.constant 8191 : i32
    %and3A_74 = vector.broadcast %and3A_73 : i32 to vector<256xi32>
    %and3A_75 = arith.andi %bitcast_convert_type3A_72, %and3A_74 : vector<256xi32>
    %swap3A_76 = arith.constant 0 : index
    %swap3A_77 = vector.load %arg10[%swap3A_76] : memref<256xi32, #tpu.memory_space<vmem>>, vector<256xi32>
    tpu.vector_store %arg10[%swap3A_76], %and3A_75 {strides = array<i32>} : memref<256xi32, #tpu.memory_space<vmem>>, vector<256xi32>,
    return
  }
  func.func @transform_0(%arg0: i32) -> (i32, i32) {
    %c0_i32 = arith.constant 0 : i32
    %c0_i32_0 = arith.constant 0 : i32
    return %arg0, %c0_i32 : i32, i32
  }
  func.func @transform_1(%arg0: i32) -> (i32, i32) {
    %c0_i32 = arith.constant 0 : i32
    %c0_i32_0 = arith.constant 0 : i32
    %c0_i32_1 = arith.constant 0 : i32
    return %c0_i32, %c0_i32_0 : i32, i32
  }
  func.func @transform_2(%arg0: i32) -> (i32, i32) {
    %c0_i32 = arith.constant 0 : i32
    %c0_i32_0 = arith.constant 0 : i32
    %c0_i32_1 = arith.constant 0 : i32
    return %c0_i32, %c0_i32_0 : i32, i32
  }
  func.func @transform_3(%arg0: i32) -> (i32, i32) {
    %c0_i32 = arith.constant 0 : i32
    %c0_i32_0 = arith.constant 0 : i32
    %c0_i32_1 = arith.constant 0 : i32
    return %c0_i32, %c0_i32_0 : i32, i32
  }
  func.func @transform_4(%arg0: i32) -> (i32, i32) {
    %c0_i32 = arith.constant 0 : i32
    %c0_i32_0 = arith.constant 0 : i32
    %c0_i32_1 = arith.constant 0 : i32
    return %c0_i32, %c0_i32_0 : i32, i32
  }
  func.func @transform_5(%arg0: i32) -> (i32, i32) {
    %c0_i32 = arith.constant 0 : i32
    %c0_i32_0 = arith.constant 0 : i32
    %c0_i32_1 = arith.constant 0 : i32
    return %c0_i32, %c0_i32_0 : i32, i32
  }
  func.func @transform_6(%arg0: i32) -> (i32, i32) {
    %c0_i32 = arith.constant 0 : i32
    %c0_i32_0 = arith.constant 0 : i32
    %c0_i32_1 = arith.constant 0 : i32
    return %c0_i32, %c0_i32_0 : i32, i32
  }
  func.func @transform_7(%arg0: i32) -> (i32, i32) {
    %c0_i32 = arith.constant 0 : i32
    %c0_i32_0 = arith.constant 0 : i32
    %c0_i32_1 = arith.constant 0 : i32
    return %c0_i32, %c0_i32_0 : i32, i32
  }
  func.func @transform_8(%arg0: i32) -> (i32, i32) {
    %c0_i32 = arith.constant 0 : i32
    %c0_i32_0 = arith.constant 0 : i32
    return %arg0, %c0_i32 : i32, i32
  }
  func.func @transform_9(%arg0: i32) -> i32 {
    %c0_i32 = arith.constant 0 : i32
    return %arg0 : i32
  }
}

module attributes {stable_mosaic.version = 14 : i64} {
  func.func @_dec_loss_body(%arg0: i32, %arg1: memref<2048x512xf32, #tpu.memory_space<vmem>>, %arg2: memref<2048x64xf32, #tpu.memory_space<vmem>>, %arg3: memref<2048x64xf32, #tpu.memory_space<vmem>>, %arg4: memref<64x1024xf32, #tpu.memory_space<vmem>>, %arg5: memref<1x1024xf32, #tpu.memory_space<vmem>>, %arg6: memref<1024x512xf32, #tpu.memory_space<vmem>>, %arg7: memref<1x512xf32, #tpu.memory_space<vmem>>, %arg8: memref<1x1xf32, #tpu.memory_space<smem>>, %arg9: memref<2xf32, #tpu.memory_space<smem>>, %arg10: memref<64x1024xbf16, #tpu.memory_space<vmem>>, %arg11: memref<1024x512xbf16, #tpu.memory_space<vmem>>) attributes {dimension_semantics = [#tpu.dimension_semantics<arbitrary>], iteration_bounds = array<i64: 4>, scalar_prefetch = 0 : i64, scratch_operands = 3 : i64, tpu.core_type = #tpu.core_type<tc>, window_params = [{transform_indices = @transform_0, window_bounds = array<i64: 2048, 512>}, {transform_indices = @transform_1, window_bounds = array<i64: 2048, 64>}, {transform_indices = @transform_2, window_bounds = array<i64: 2048, 64>}, {pipeline_mode = #tpu.pipeline_mode<synchronous>, transform_indices = @transform_3, window_bounds = array<i64: 64, 1024>}, {pipeline_mode = #tpu.pipeline_mode<synchronous>, transform_indices = @transform_4, window_bounds = array<i64: 1, 1024>}, {pipeline_mode = #tpu.pipeline_mode<synchronous>, transform_indices = @transform_5, window_bounds = array<i64: 1024, 512>}, {pipeline_mode = #tpu.pipeline_mode<synchronous>, transform_indices = @transform_6, window_bounds = array<i64: 1, 512>}, {transform_indices = @transform_7, window_bounds = array<i64: 1, 1>}]} {
    %eq3A = arith.constant 0 : i32
    %eq3A_0 = arith.cmpi eq, %arg0, %eq3A : i32
    %convert_element_type3A = arith.extui %eq3A_0 : i1 to i32
    %cond3A = arith.constant 0 : i32
    %cond3A_1 = arith.cmpi ne, %convert_element_type3A, %cond3A : i32
    scf.if %cond3A_1 {
      %swap3A_59 = arith.constant 0.000000e+00 : f32
      %swap3A_60 = arith.constant 0 : index
      %swap3A_61 = memref.load %arg9[%swap3A_60] : memref<2xf32, #tpu.memory_space<smem>>
      memref.store %swap3A_59, %arg9[%swap3A_60] : memref<2xf32, #tpu.memory_space<smem>>
      %swap3A_62 = arith.constant 0.000000e+00 : f32
      %swap3A_63 = arith.constant 1 : index
      %swap3A_64 = memref.load %arg9[%swap3A_63] : memref<2xf32, #tpu.memory_space<smem>>
      memref.store %swap3A_62, %arg9[%swap3A_63] : memref<2xf32, #tpu.memory_space<smem>>
      %get3A_65 = arith.constant 0 : index
      %get3A_66 = arith.constant 0 : index
      %get3A_67 = vector.load %arg4[%get3A_65, %get3A_66] : memref<64x1024xf32, #tpu.memory_space<vmem>>, vector<64x1024xf32>
      %convert_element_type3A_68 = arith.truncf %get3A_67 : vector<64x1024xf32> to vector<64x1024xbf16>
      %swap3A_69 = arith.constant 0 : index
      %swap3A_70 = arith.constant 0 : index
      %swap3A_71 = vector.load %arg10[%swap3A_69, %swap3A_70] : memref<64x1024xbf16, #tpu.memory_space<vmem>>, vector<64x1024xbf16>
      tpu.vector_store %arg10[%swap3A_69, %swap3A_70], %convert_element_type3A_68 {strides = array<i32>} : memref<64x1024xbf16, #tpu.memory_space<vmem>>, vector<64x1024xbf16>,
      %get3A_72 = arith.constant 0 : index
      %get3A_73 = arith.constant 0 : index
      %get3A_74 = vector.load %arg6[%get3A_72, %get3A_73] : memref<1024x512xf32, #tpu.memory_space<vmem>>, vector<1024x512xf32>
      %convert_element_type3A_75 = arith.truncf %get3A_74 : vector<1024x512xf32> to vector<1024x512xbf16>
      %swap3A_76 = arith.constant 0 : index
      %swap3A_77 = arith.constant 0 : index
      %swap3A_78 = vector.load %arg11[%swap3A_76, %swap3A_77] : memref<1024x512xbf16, #tpu.memory_space<vmem>>, vector<1024x512xbf16>
      tpu.vector_store %arg11[%swap3A_76, %swap3A_77], %convert_element_type3A_75 {strides = array<i32>} : memref<1024x512xbf16, #tpu.memory_space<vmem>>, vector<1024x512xbf16>,
    } else {
    }
    %get3A = arith.constant 0 : index
    %get3A_2 = arith.constant 0 : index
    %get3A_3 = vector.load %arg2[%get3A, %get3A_2] : memref<2048x64xf32, #tpu.memory_space<vmem>>, vector<2048x64xf32>
    %get3A_4 = arith.constant 0 : index
    %get3A_5 = arith.constant 0 : index
    %get3A_6 = vector.load %arg3[%get3A_4, %get3A_5] : memref<2048x64xf32, #tpu.memory_space<vmem>>, vector<2048x64xf32>
    %sub3A = arith.subf %get3A_6, %get3A_3 : vector<2048x64xf32>
    %add3A = arith.addf %get3A_3, %sub3A : vector<2048x64xf32>
    %convert_element_type3A_7 = arith.truncf %add3A : vector<2048x64xf32> to vector<2048x64xbf16>
    %get3A_8 = arith.constant 0 : index
    %get3A_9 = arith.constant 0 : index
    %get3A_10 = vector.load %arg10[%get3A_8, %get3A_9] : memref<64x1024xbf16, #tpu.memory_space<vmem>>, vector<64x1024xbf16>
    %dot_general3A = arith.constant dense<0.000000e+00> : vector<2048x1024xf32>
    %dot_general3A_11 = tpu.matmul %convert_element_type3A_7, %get3A_10, %dot_general3A {dimension_numbers = #tpu.dot_dimension_numbers<[1], [0], [0], [1], [0, 0, 1, 1], [], []>, transpose_lhs_hint = false} : vector<2048x64xbf16>, vector<64x1024xbf16>, vector<2048x1024xf32> -> vector<2048x1024xf32>
    %get3A_12 = arith.constant 0 : index
    %get3A_13 = arith.constant 0 : index
    %get3A_14 = vector.load %arg5[%get3A_12, %get3A_13] : memref<1x1024xf32, #tpu.memory_space<vmem>>, vector<1x1024xf32>
    %add3A_15 = vector.broadcast %get3A_14 : vector<1x1024xf32> to vector<2048x1024xf32>
    %add3A_16 = arith.addf %dot_general3A_11, %add3A_15 : vector<2048x1024xf32>
    %max3A = arith.constant 0.000000e+00 : f32
    %max3A_17 = vector.broadcast %max3A : f32 to vector<2048x1024xf32>
    %max3A_18 = arith.maximumf %add3A_16, %max3A_17 : vector<2048x1024xf32>
    %convert_element_type3A_19 = arith.truncf %max3A_18 : vector<2048x1024xf32> to vector<2048x1024xbf16>
    %get3A_20 = arith.constant 0 : index
    %get3A_21 = arith.constant 0 : index
    %get3A_22 = vector.load %arg11[%get3A_20, %get3A_21] : memref<1024x512xbf16, #tpu.memory_space<vmem>>, vector<1024x512xbf16>
    %dot_general3A_23 = arith.constant dense<0.000000e+00> : vector<2048x512xf32>
    %dot_general3A_24 = tpu.matmul %convert_element_type3A_19, %get3A_22, %dot_general3A_23 {dimension_numbers = #tpu.dot_dimension_numbers<[1], [0], [0], [1], [0, 0, 1, 1], [], []>, transpose_lhs_hint = false} : vector<2048x1024xbf16>, vector<1024x512xbf16>, vector<2048x512xf32> -> vector<2048x512xf32>
    %get3A_25 = arith.constant 0 : index
    %get3A_26 = arith.constant 0 : index
    %get3A_27 = vector.load %arg7[%get3A_25, %get3A_26] : memref<1x512xf32, #tpu.memory_space<vmem>>, vector<1x512xf32>
    %add3A_28 = vector.broadcast %get3A_27 : vector<1x512xf32> to vector<2048x512xf32>
    %add3A_29 = arith.addf %dot_general3A_24, %add3A_28 : vector<2048x512xf32>
    %get3A_30 = arith.constant 0 : index
    %get3A_31 = arith.constant 0 : index
    %get3A_32 = vector.load %arg1[%get3A_30, %get3A_31] : memref<2048x512xf32, #tpu.memory_space<vmem>>, vector<2048x512xf32>
    %sub3A_33 = arith.subf %add3A_29, %get3A_32 : vector<2048x512xf32>
    %sub3A_34 = arith.subf %add3A, %get3A_3 : vector<2048x64xf32>
    %get3A_35 = arith.constant 0 : index
    %get3A_36 = memref.load %arg9[%get3A_35] : memref<2xf32, #tpu.memory_space<smem>>
    %mul3A = arith.mulf %sub3A_33, %sub3A_33 : vector<2048x512xf32>
    %reduce_sum3A = vector.shape_cast %mul3A : vector<2048x512xf32> to vector<1x2048x512xf32>
    %reduce_sum3A_37 = arith.constant dense<0.000000e+00> : vector<1xf32>
    %reduce_sum3A_38 = vector.multi_reduction <add>, %reduce_sum3A, %reduce_sum3A_37 [1, 2] : vector<1x2048x512xf32> to vector<1xf32>
    %reduce_sum3A_39 = vector.shape_cast %reduce_sum3A_38 : vector<1xf32> to vector<1x1x1xf32>
    %reduce_sum3A_40 = vector.extract %reduce_sum3A_39[0, 0, 0] : f32 from vector<1x1x1xf32>
    %add3A_41 = arith.addf %get3A_36, %reduce_sum3A_40 : f32
    %swap3A = arith.constant 0 : index
    %swap3A_42 = memref.load %arg9[%swap3A] : memref<2xf32, #tpu.memory_space<smem>>
    memref.store %add3A_41, %arg9[%swap3A] : memref<2xf32, #tpu.memory_space<smem>>
    %get3A_43 = arith.constant 1 : index
    %get3A_44 = memref.load %arg9[%get3A_43] : memref<2xf32, #tpu.memory_space<smem>>
    %mul3A_45 = arith.mulf %sub3A_34, %sub3A_34 : vector<2048x64xf32>
    %reduce_sum3A_46 = vector.shape_cast %mul3A_45 : vector<2048x64xf32> to vector<1x2048x64xf32>
    %reduce_sum3A_47 = arith.constant dense<0.000000e+00> : vector<1xf32>
    %reduce_sum3A_48 = vector.multi_reduction <add>, %reduce_sum3A_46, %reduce_sum3A_47 [1, 2] : vector<1x2048x64xf32> to vector<1xf32>
    %reduce_sum3A_49 = vector.shape_cast %reduce_sum3A_48 : vector<1xf32> to vector<1x1x1xf32>
    %reduce_sum3A_50 = vector.extract %reduce_sum3A_49[0, 0, 0] : f32 from vector<1x1x1xf32>
    %add3A_51 = arith.addf %get3A_44, %reduce_sum3A_50 : f32
    %swap3A_52 = arith.constant 1 : index
    %swap3A_53 = memref.load %arg9[%swap3A_52] : memref<2xf32, #tpu.memory_space<smem>>
    memref.store %add3A_51, %arg9[%swap3A_52] : memref<2xf32, #tpu.memory_space<smem>>
    %eq3A_54 = arith.constant 3 : i32
    %eq3A_55 = arith.cmpi eq, %arg0, %eq3A_54 : i32
    %convert_element_type3A_56 = arith.extui %eq3A_55 : i1 to i32
    %cond3A_57 = arith.constant 0 : i32
    %cond3A_58 = arith.cmpi ne, %convert_element_type3A_56, %cond3A_57 : i32
    scf.if %cond3A_58 {
      %get3A_59 = arith.constant 0 : index
      %get3A_60 = memref.load %arg9[%get3A_59] : memref<2xf32, #tpu.memory_space<smem>>
      %mul3A_61 = arith.constant 5.000000e-01 : f32
      %mul3A_62 = arith.mulf %mul3A_61, %get3A_60 : f32
      %div3A = arith.constant 0x4A800000 : f32
      %div3A_63 = arith.divf %mul3A_62, %div3A : f32
      %get3A_64 = arith.constant 1 : index
      %get3A_65 = memref.load %arg9[%get3A_64] : memref<2xf32, #tpu.memory_space<smem>>
      %mul3A_66 = arith.constant 1.500000e+00 : f32
      %mul3A_67 = arith.mulf %mul3A_66, %get3A_65 : f32
      %div3A_68 = arith.constant 5.242880e+05 : f32
      %div3A_69 = arith.divf %mul3A_67, %div3A_68 : f32
      %add3A_70 = arith.addf %div3A_63, %div3A_69 : f32
      %swap3A_71 = arith.constant 0 : index
      %swap3A_72 = arith.constant 0 : index
      %swap3A_73 = memref.load %arg8[%swap3A_71, %swap3A_72] : memref<1x1xf32, #tpu.memory_space<smem>>
      memref.store %add3A_70, %arg8[%swap3A_71, %swap3A_72] : memref<1x1xf32, #tpu.memory_space<smem>>
    } else {
    }
    return
  }
  func.func @transform_0(%arg0: i32) -> (i32, i32) {
    %c0_i32 = arith.constant 0 : i32
    %c0_i32_0 = arith.constant 0 : i32
    return %arg0, %c0_i32 : i32, i32
  }
  func.func @transform_1(%arg0: i32) -> (i32, i32) {
    %c0_i32 = arith.constant 0 : i32
    %c0_i32_0 = arith.constant 0 : i32
    return %arg0, %c0_i32 : i32, i32
  }
  func.func @transform_2(%arg0: i32) -> (i32, i32) {
    %c0_i32 = arith.constant 0 : i32
    %c0_i32_0 = arith.constant 0 : i32
    return %arg0, %c0_i32 : i32, i32
  }
  func.func @transform_3(%arg0: i32) -> (i32, i32) {
    %c0_i32 = arith.constant 0 : i32
    %c0_i32_0 = arith.constant 0 : i32
    %c0_i32_1 = arith.constant 0 : i32
    return %c0_i32, %c0_i32_0 : i32, i32
  }
  func.func @transform_4(%arg0: i32) -> (i32, i32) {
    %c0_i32 = arith.constant 0 : i32
    %c0_i32_0 = arith.constant 0 : i32
    %c0_i32_1 = arith.constant 0 : i32
    return %c0_i32, %c0_i32_0 : i32, i32
  }
  func.func @transform_5(%arg0: i32) -> (i32, i32) {
    %c0_i32 = arith.constant 0 : i32
    %c0_i32_0 = arith.constant 0 : i32
    %c0_i32_1 = arith.constant 0 : i32
    return %c0_i32, %c0_i32_0 : i32, i32
  }
  func.func @transform_6(%arg0: i32) -> (i32, i32) {
    %c0_i32 = arith.constant 0 : i32
    %c0_i32_0 = arith.constant 0 : i32
    %c0_i32_1 = arith.constant 0 : i32
    return %c0_i32, %c0_i32_0 : i32, i32
  }
  func.func @transform_7(%arg0: i32) -> (i32, i32) {
    %c0_i32 = arith.constant 0 : i32
    %c0_i32_0 = arith.constant 0 : i32
    %c0_i32_1 = arith.constant 0 : i32
    return %c0_i32, %c0_i32_0 : i32, i32
  }
}

</mosaic_0001>

<sc_bundles>
// kernel: kernel.5.cloned.1.call-start
scs
__scs_entry_jumppad:
0x0: {  	(pc) =	sbr.rel $0x88, $3  }
0x1: {  	(tag) =	ssettag $0x0;
	lr =	simm.s32 $0x1  }
0x2: {  	[smem:$0x3F95] =	sst lr;
	_ =	strace $0xD0000000  }
0x3: {  	_ = 	snop  }
0x4: {  	_ = 	snop  }
0x5: {  	_ = 	snop  }
0x6: {  	_ = 	snop  }
0x7: {  	_ = 	snop  }
__scs_overlays_trampoline_lowered:
0x8: {  	[smem:$0x3FA4] =	sst s0  }
0x9: {  	[smem:$0x3FA5] =	sst s1  }
0xa: {  	[smem:$0x3FA6] =	sst s2  }
0xb: {  	[smem:$0x3FA7] =	sst s3  }
0xc: {  	[smem:$0x3FA8] =	sst s4  }
0xd: {  	[smem:$0x3FA9] =	sst s5  }
0xe: {  	[smem:$0x3FAA] =	sst s6  }
0xf: {  	[smem:$0x3FAB] =	sst s7  }
0x10: {  	[smem:$0x3FAC] =	sst s8  }
0x11: {  	[smem:$0x3FAD] =	sst s9;
	s0 =	simm.s32 @!p0 $0x0  }
0x12: {  	s1 =	sld [smem:$0x3F93];
	s0 =	simm.s32 @p0 $0x1  }
0x13: {  	[smem:$0x3FAE] =	sst s0;
	s0 =	simm.s32 @!p1 $0x0  }
0x14: {  	s2 =	sld [smem:$0x3F92];
	s0 =	simm.s32 @p1 $0x1  }
0x15: {  	[smem:$0x3FAF] =	sst s0;
	s0 =	simm.s32 @!p2 $0x0  }
0x16: {  	s3 =	sld [smem:$0x3FDB];
	s0 =	simm.s32 @p2 $0x1  }
0x17: {  	s4 =	simm.s32 $0x1BF5;
	[smem:$0x3FB1] =	sst s0  }
0x18: {  	s0 =	sld [smem:$0x3F94];
	_ =	swait.ge [sflag:s4], $0x0  }
0x19: {  	s7 =	sld [smem:$0x3F95]  }
0x1a: {  	s8 =	sadd.s32 $0xFFFFE003, lr  }
0x1b: {  	s9 =	sadd.s32 $0xFFFFFEF7, lr;
	s5 =	simm.s32 $0xFFFFFFFF;
	p2 =	slt.u32 s8, $0xFFFFF086  }
0x1c: {  	p1 =	slt.u32 s9, $0xF7A;
	s5 =	simm.s32 @!p2 $0x0  }
0x1d: {  	s5 =	simm.s32 @p1 $0x1;
	p0 =	seq.s32 s7, s2  }
0x1e: {  	s7 =	smul.u32 @!p0 $0xF7A, s2;
	p2 =	seq.s32 @!p0 s5, $0x0  }
0x1f: {  	s9 =	smul.u32 $0xF7A, s1;
	s8 =	simm.s32 @!p0 $0x1BF5;
	p2 =	por !p2, p0  }
0x20: {  	[sflag:s8] =	ssyncset.s32 @!p0 $0xFFFFF086;
	s6 =	sadd.s32 @!p0 s3, s7;
	s7 =	simm.s32 @!p0 $0x108  }
0x21: {  	s3 =	sadd.s32 s3, s9;
	s6 =	sadd.s32 @!p0 $0x88, s6;
	s7 =	simm.s32 @p2 $0x1082  }
0x22: {  	[simem:s7], [sflag:s8] =	dma.local @!p0 [hbm:s6], $0xF7A  }
0x23: {  	s9 =	sor.u32 $0xD0000000, s2;
	s6 =	simm.s32 $0x108;
	_ =	swait.ge @!p0 [sflag:s8], $0x0  }
0x24: {  	s3 =	sadd.s32 $0x88, s3;
	s6 =	simm.s32 @!p1 $0x1082;
	[sflag:s4] =	ssyncset.s32 $0xFFFFF086  }
0x25: {  	[simem:s6], [sflag:s4] =	dma.local [hbm:s3], $0xF7A  }
0x26: {  	[smem:$0x3F95] =	sst s1;
	(tag) =	ssettag s2;
	_ =	strace s9  }
0x27: {  	s1 =	sld [smem:$0x3FA5]  }
0x28: {  	s2 =	sld [smem:$0x3FA6]  }
0x29: {  	s4 =	sld [smem:$0x3FA8]  }
0x2a: {  	p0 =	seq.s32 s5, $0x0;
	s5 =	sld [smem:$0x3FA9]  }
0x2b: {  	s6 =	sld [smem:$0x3FAA]  }
0x2c: {  	s7 =	sld [smem:$0x3FAB]  }
0x2d: {  	s3 =	simm.s32 $0x108;
	s8 =	sld [smem:$0x3FAC]  }
0x2e: {  	s3 =	simm.s32 @!p0 $0x1082;
	s9 =	sld [smem:$0x3FAD]  }
0x2f: {  	lr =	sadd.s32 s0, s3;
	s0 =	sld [smem:$0x3FA4]  }
0x30: {  	s3 =	sld [smem:$0x3FA7]  }
0x31: {  	[smem:$0x3FB0] =	sst s10  }
0x32: {  	s10 =	sld [smem:$0x3FAE];
	_ =	sdelay $0x3  }
0x33: {  	p0 =	seq.s32 s10, $0x1;
	s10 =	sld [smem:$0x3FB0];
	_ =	sdelay $0x3  }
0x34: {  	[smem:$0x3FB0] =	sst s10  }
0x35: {  	s10 =	sld [smem:$0x3FAF];
	_ =	sdelay $0x3  }
0x36: {  	p1 =	seq.s32 s10, $0x1;
	s10 =	sld [smem:$0x3FB0];
	_ =	sdelay $0x3  }
0x37: {  	[smem:$0x3FB0] =	sst s10  }
0x38: {  	s10 =	sld [smem:$0x3FB1]  }
0x39: {  	_ = 	snop;
	(pc) =	sbr.ind lr, $3  }
0x3a: {  	_ = 	snop  }
0x3b: {  	_ = 	snop  }
0x3c: {  	p2 =	seq.s32 s10, $0x1;
	s10 =	sld [smem:$0x3FB0]  }
0x3d: {  	_ =	shalt  }
0x3e: {  	_ =	shalt  }
0x3f: {  	_ =	shalt  }
0x40: {  	_ =	shalt  }
0x41: {  	_ =	shalt  }
0x42: {  	_ =	shalt  }
0x43: {  	_ =	shalt  }
0x44: {  	_ =	shalt  }
0x45: {  	_ =	shalt  }
0x46: {  	_ =	shalt  }
0x47: {  	_ =	shalt  }
0x48: {  	_ =	shalt  }
0x49: {  	_ =	shalt  }
0x4a: {  	_ =	shalt  }
0x4b: {  	_ =	shalt  }
0x4c: {  	_ =	shalt  }
0x4d: {  	_ =	shalt  }
0x4e: {  	_ =	shalt  }
0x4f: {  	_ =	shalt  }
0x50: {  	_ =	shalt  }
0x51: {  	_ =	shalt  }
0x52: {  	_ =	shalt  }
0x53: {  	_ =	shalt  }
0x54: {  	_ =	shalt  }
0x55: {  	_ =	shalt  }
0x56: {  	_ =	shalt  }
0x57: {  	_ =	shalt  }
0x58: {  	_ =	shalt  }
0x59: {  	_ =	shalt  }
0x5a: {  	_ =	shalt  }
0x5b: {  	_ =	shalt  }
0x5c: {  	_ =	shalt  }
0x5d: {  	_ =	shalt  }
0x5e: {  	_ =	shalt  }
0x5f: {  	_ =	shalt  }
0x60: {  	_ =	shalt  }
0x61: {  	_ =	shalt  }
0x62: {  	_ =	shalt  }
0x63: {  	_ =	shalt  }
0x64: {  	_ =	shalt  }
0x65: {  	_ =	shalt  }
0x66: {  	_ =	shalt  }
0x67: {  	_ =	shalt  }
0x68: {  	_ =	shalt  }
0x69: {  	_ =	shalt  }
0x6a: {  	_ =	shalt  }
0x6b: {  	_ =	shalt  }
0x6c: {  	_ =	shalt  }
0x6d: {  	_ =	shalt  }
0x6e: {  	_ =	shalt  }
0x6f: {  	_ =	shalt  }
0x70: {  	_ =	shalt  }
0x71: {  	_ =	shalt  }
0x72: {  	_ =	shalt  }
0x73: {  	_ =	shalt  }
0x74: {  	_ =	shalt  }
0x75: {  	_ =	shalt  }
0x76: {  	_ =	shalt  }
0x77: {  	_ =	shalt  }
0x78: {  	_ =	shalt  }
0x79: {  	_ =	shalt  }
0x7a: {  	_ =	shalt  }
0x7b: {  	_ =	shalt  }
0x7c: {  	_ =	shalt  }
0x7d: {  	_ =	shalt  }
0x7e: {  	_ =	shalt  }
0x7f: {  	_ =	shalt  }
0x80: {  	_ =	shalt  }
0x81: {  	_ =	shalt  }
0x82: {  	_ =	shalt  }
0x83: {  	_ =	shalt  }
0x84: {  	_ =	shalt  }
0x85: {  	_ =	shalt  }
0x86: {  	_ =	shalt  }
0x87: {  	_ =	shalt  }
.Lfunc_end0:
.L_simem_size_0:
called_computation_lowered:
.L_overlay_start_0:
0x88: {  	s2 =	sld [smem:$0x3FD9]  }
0x89: {  	s3 =	sld [smem:$0x3FFE];
	_ =	sdelay $0x1  }
0x8a: {  	s1 =	srdreg.scid  }
0x8b: {  	s0 =	sand.u32 $0x1, s1  }
0x8c: {  	s16 =	sshll.u32 s0, $0xA;
	s2 =	sadd.s32 s3, s2  }
0x8d: {  	s2 =	sadd.s32 s2, s16  }
0x8e: {  	[smem:$0x3FBC] =	sst s2  }
0x8f: {  	_ = 	snop  }
0x90: {  	(tm) =	ssettm $0x1  }
0x91: {  	s17 =	sld [smem:$0x3FFB];
	_ =	sdelay $0x3  }
0x92: {  	_ =	strace s17  }
0x93: {  	s2 =	sld [smem:$0x3FFC];
	_ =	sdelay $0x3  }
0x94: {  	_ =	strace s2  }
0x95: {  	s2 =	sld [smem:$0x3FFD];
	_ =	sdelay $0x3  }
0x96: {  	_ =	strace s2  }
0x97: {  	_ =	strace $0x8FFFFFFF  }
0x98: {  	s18 =	sld [smem:$0x3FDB];
	_ =	sdelay $0x1  }
0x99: {  	s19 =	simm.s32 $_scs_section_size  }
0x9a: {  	s4 =	simm.s32 $_size__tile_overlayer_lowered;
	s5 =	simm.s32 $_tile_overlayer_lowered  }
0x9b: {  	s22 =	simm.s32 $0x1BFF;
	s21 =	sshll.u32 s5, $0x1;
	s2 =	sadd.s32 s19, s18  }
0x9c: {  	s6 =	simm.s32 $0x0;
	s20 =	sshll.u32 s4, $0x1;
	s4 =	sadd.s32 s21, s2  }
0x9d: {  	[timem:s6], [sflag:s22] =	dma.local [hbm:s4], s20  }
0x9e: {  	_ =	swait.ge [sflag:s22], s20  }
0x9f: {  	s3 =	ssub.s32 $0x0, s20;
	[sflag:s22] =	ssyncset.done $0x0  }
0xa0: {  	[sflag:s22] =	ssyncadd.s32 s3;
	_ =	sdelay $0x1  }
0xa1: {  	s23 =	simm.s32 $0x1B8B  }
0xa2: {  	_ =	swait.ge [sflag:s23], $0x1  }
0xa3: {  	[sflag:s23] =	ssyncset.done $0x0  }
0xa4: {  	s25 =	simm.s32 $0x1B8E;
	s24 =	sld [smem:$0x3FFE];
	[sflag:s23] =	ssyncadd.s32 $0xFFFFFFFF  }
0xa5: {  	s26 =	simm.s32 $execute0_lowered;
	[smem:$0x3FD2] =	sst s25  }
0xa6: {  	s4 =	sshll.u32 s26, $0x1;
	_ =	strace $0x80000046;
	[dreg:$0x1] =	wrdreg $0xFFFFFFFF  }
0xa7: {  	s28 =	simm.s32 $_size_execute0_lowered;
	s2 =	sadd.s32 s2, s4;
	[dreg:$0x0] =	wrdreg $0x0  }
0xa8: {  	s4 =	sshll.u32 s28, $0x1;
	[dreg:$0x2] =	wrdreg s2  }
0xa9: {  	[dreg:$0x3] =	wrdreg s4  }
0xaa: {  	[dreg:$0x4] =	wrdreg $0xC0  }
0xab: {  	_ =	task [dreg:s6], $0x5FFFF  }
0xac: {  	[dreg:$0x1] =	wrdreg $0xFFFFFFFF  }
0xad: {  	[dreg:$0x0] =	wrdreg $0x60  }
0xae: {  	[dreg:$0x2] =	wrdreg s24  }
0xaf: {  	[dreg:$0x3] =	wrdreg $0x41000  }
0xb0: {  	[dreg:$0x4] =	wrdreg $0x9  }
0xb1: {  	_ =	task.clear_ibuf [dreg:s6], $0x5FFFF;
	_ =	strace $0x90000046  }
0xb2: {  	s29 =	simm.s32 $0x9;
	_ =	strace $0x80000048  }
0xb3: {  	_ =	swait.ge [sflag:s29], $0x1  }
0xb4: {  	[sflag:s29] =	ssyncadd.s32 $0xFFFFFFFF  }
0xb5: {  	_ =	strace $0x90000048  }
0xb6: {  	_ =	sfence  }
0xb7: {  	s30 =	sld [smem:$0x0];
	_ =	sdelay $0x2  }
0xb8: {  	s31 =	sshll.u32 s1, $0xD;
	s1 =	sshrl.u32 s1, $0x2  }
0xb9: {  	s3 =	sand.u32 $0x4000, s31;
	s1 =	sadd.s32 s1, s30  }
0xba: {  	s0 =	sor.u32 s3, s0;
	s1 =	sshll.u32 s1, $0x11  }
0xbb: {  	s0 =	sor.u32 s1, s0  }
0xbc: {  	s0 =	sadd.s32 $0x8F2B, s0  }
0xbd: {  	[sflag:s0] =	ssyncadd.remote.s32 $0x1  }
0xbe: {  	_ =	sfence.sel $0xFFFF  }
0xbf: {  	[dreg:$0x0] =	wrdreg $0xFFFFFFFF;
	(pc) =	sbr.abs _section_cstart, $3  }
0xc0: {  	[dreg:$0x1] =	wrdreg $0xFFFFFFFF  }
0xc1: {  	_ =	task.clear_ibuf [dreg:s6], $0x2FFFF;
	_ =	strace $0x9FFFFFFF  }
0xc2: {  	(tm) =	ssettm $0x7FFFFFFF  }
0xc3: {  	_ =	shalt  }
tec
execute0_lowered:
.L_overlay_start_1:
0x0: {  	(tag) =	ssettag $0x1  }
0x1: {  	s4 =	srdreg.scid  }
0x2: {  	s4 =	sand.u32 $0x1, s4  }
0x3: {  	s7 =	sshll.u32 s4, $0x8;
	s4 =	ssub.s32 $0x2, s4  }
0x4: {  	s3 =	rddreg [dreg:$0x0];
	s9 =	sshrl.u32 s4, $0x1  }
0x5: {  	s2 =	rddreg [dreg:$0x1];
	s4 =	ssub.s32 s4, s9  }
0x6: {  	s0 =	rddreg [dreg:$0x2];
	s1 =	simm.s32 $0x0;
	s4 =	smax.u32 s4, $0x1  }
0x7: {  	s6 =	stileid.u32;
	p1 =	por $0x0, $0x0;
	s12 =	sadd.s32 $0xFFFFFFFF, s4  }
0x8: {  	[smem:$0x7FF] =	sst s1;
	s5 =	sshll.u32 s6, $0x9;
	p2 =	sne.s32 s12, $0x0  }
.Ltmp0:
0x9: {  	p0 =	sne.s32 s6, $0x0;
	s7 =	sor.u32 s7, s5;
	(pc) =	sbr.rel @!p2 .LBB2_3-.Ltmp0, $4  }
0xa: {  	s6 =	simm.s32 $0x100;
	_ =	strace $0x80000047;
	s8 =	sshrl.u32 s7, $0x3  }
0xb: {  	s5 =	sadd.s32 $0x1C00, s3;
	s7 =	sshll.u32 s7, $0x3;
	s8 =	sadd.s32 s8, s3  }
0xc: {  	s9 =	sshrl.u32 @!p0 s2, $0x3;
	s3 =	sadd.s32 s7, s3;
	s7 =	sadd.s32 $0x11C00, s8  }
0xd: {  	s3 =	sadd.s32 $0x12000, s3;
	s4 =	simm.s32 $0x2;
	s8 =	simm.s32 $0x1  }
0xe: {  	s10 =	simm.s32 @!p0 $0x1C02;
	s11 =	simm.s32 @!p0 $0x2  }
0xf: {  	[spmem:s9], [sflag:s10] =	dma.local @!p0 [hbm:s5], $0x10000  }
0x10: {  	_ =	swait.ge @!p0 [sflag:s11], $0x10000  }
0x11: {  	[sflag:s11] =	ssyncset.done @!p0 $0x0  }
0x12: {  	[sflag:s11] =	ssyncadd.s32 @!p0 $0xFFFF0000  }
0x13: {  	[tilespmem:s1], [sflag:$0x2] =	stream.linear.gather [hbm4b:s7+s1], $0x100, $0x38;
	[tilespmem:$0xC100] =	vst v63  }
0x14: {  	_ =	swait.ge [sflag:s4], $0x100  }
0x15: {  	[sflag:s4] =	ssyncset.done $0x0  }
0x16: {  	[sflag:s4] =	ssyncadd.s32 $0xFFFFFF00  }
0x17: {  	s12 =	sadd.s32 $0xFFFFFFFF, s12;
	[bflag:$0x0] =	sbarrier.arrive $0xFFFF  }
0x18: {  	[tilespmem:s6], [sflag:$0x1] =	stream.indirect.gather [spmem:s2], $0x40, s1, s6, $0xb8;
	[tilespmem:$0xC100] =	vst v63  }
0x19: {  	p2 =	sne.s32 s12, $0x0;
	_ =	swait.ge [sflag:s8], $0x4000  }
.Ltmp1:
0x1a: {  	[sflag:s8] =	ssyncset.done $0x0;
	(pc) =	sbr.rel @!p2 .LBB2_3-.Ltmp1, $4  }
0x1b: {  	[sflag:s8] =	ssyncadd.s32 $0xFFFFC000  }
0x1c: {  	[hbm4b:s3+s1] =	stream.linear.scatter [tilespmem:s6], [sflag:$0x2], $0x4000, $0x38;
	[tilespmem:$0xC100] =	vst v63  }
0x1d: {  	_ =	swait.ge [sflag:s4], $0x4000  }
0x1e: {  	p1 =	por $0x1, $0x1;
	[sflag:s4] =	ssyncset.done $0x0  }
.LBB2_2:
0x1f: {  	[sflag:s4] =	ssyncadd.s32 $0xFFFFC000  }
0x20: {  	[spmem:s9], [sflag:s10] =	dma.local @!p0 [hbm:s5], $0x10000  }
0x21: {  	s12 =	sadd.s32 $0xFFFFFFFF, s12;
	_ =	swait.ge @!p0 [sflag:s11], $0x10000  }
0x22: {  	p2 =	sne.s32 s12, $0x0;
	[sflag:s11] =	ssyncset.done @!p0 $0x0  }
0x23: {  	[sflag:s11] =	ssyncadd.s32 @!p0 $0xFFFF0000  }
0x24: {  	[tilespmem:s1], [sflag:$0x2] =	stream.linear.gather [hbm4b:s7+s1], $0x100, $0x38;
	[tilespmem:$0xC100] =	vst v63  }
0x25: {  	_ =	swait.ge [sflag:s4], $0x100  }
0x26: {  	[sflag:s4] =	ssyncset.done $0x0  }
0x27: {  	[sflag:s4] =	ssyncadd.s32 $0xFFFFFF00  }
0x28: {  	[bflag:$0x0] =	sbarrier.arrive $0xFFFF  }
0x29: {  	[tilespmem:s6], [sflag:$0x1] =	stream.indirect.gather [spmem:s2], $0x40, s1, s6, $0xb8;
	[tilespmem:$0xC100] =	vst v63  }
0x2a: {  	_ =	swait.ge [sflag:s8], $0x4000  }
.Ltmp2:
0x2b: {  	[sflag:s8] =	ssyncset.done $0x0;
	(pc) =	sbr.rel @p2 .LBB2_2-.Ltmp2, $4  }
0x2c: {  	[sflag:s8] =	ssyncadd.s32 $0xFFFFC000  }
0x2d: {  	[hbm4b:s3+s1] =	stream.linear.scatter [tilespmem:s6], [sflag:$0x2], $0x4000, $0x38;
	[tilespmem:$0xC100] =	vst v63  }
0x2e: {  	_ =	swait.ge [sflag:s4], $0x4000  }
0x2f: {  	[sflag:s4] =	ssyncset.done $0x0  }
.LBB2_3:
0x30: {  	s10 =	simm.s32 @!p0 $0x1C02;
	s11 =	simm.s32 @!p0 $0x2;
	[sflag:s4] =	ssyncadd.s32 @p1 $0xFFFFC000  }
0x31: {  	[spmem:s9], [sflag:s10] =	dma.local @!p0 [hbm:s5], $0x10000  }
0x32: {  	_ =	swait.ge @!p0 [sflag:s11], $0x10000  }
0x33: {  	[sflag:s11] =	ssyncset.done @!p0 $0x0  }
0x34: {  	[sflag:s11] =	ssyncadd.s32 @!p0 $0xFFFF0000  }
0x35: {  	[tilespmem:s1], [sflag:$0x2] =	stream.linear.gather [hbm4b:s7+s1], $0x100, $0x38;
	[tilespmem:$0xC100] =	vst v63  }
0x36: {  	_ =	swait.ge [sflag:s4], $0x100  }
0x37: {  	[sflag:s4] =	ssyncset.done $0x0  }
0x38: {  	[sflag:s4] =	ssyncadd.s32 $0xFFFFFF00  }
0x39: {  	[bflag:$0x0] =	sbarrier.arrive $0xFFFF  }
0x3a: {  	[tilespmem:s6], [sflag:$0x1] =	stream.indirect.gather [spmem:s2], $0x40, s1, s6, $0xb8;
	[tilespmem:$0xC100] =	vst v63  }
0x3b: {  	_ =	swait.ge [sflag:s8], $0x4000  }
0x3c: {  	[sflag:s8] =	ssyncset.done $0x0  }
0x3d: {  	[sflag:s8] =	ssyncadd.s32 $0xFFFFC000  }
0x3e: {  	[hbm4b:s3+s1] =	stream.linear.scatter [tilespmem:s6], [sflag:$0x2], $0x4000, $0x38;
	[tilespmem:$0xC100] =	vst v63  }
0x3f: {  	_ =	swait.ge [sflag:s4], $0x4000  }
0x40: {  	[sflag:s4] =	ssyncset.done $0x0  }
0x41: {  	[sflag:s4] =	ssyncadd.s32 $0xFFFFC000  }
0x42: {  	_ =	sfence.sel $0x180000  }
0x43: {  	[bflag:$0x0] =	sbarrier.arrive $0xFFFF  }
0x44: {  	_ =	strace $0x90000047  }
0x45: {  	s0 =	sadd.s32 @!p0 $0x100000, s0;
	[bflag:$0x2] =	sbarrier.arrive $0xFFFF  }
0x46: {  	[sflag:s0] =	ssyncadd.tile.s32 @!p0 $0x1;
	_ =	shalt  }
.Lfunc_end2:
_tile_overlayer_lowered:
.L_overlay_start_2:
0x47: {  	(tag) =	ssettag $0x2  }
0x48: {  	s0 =	rddreg [dreg:$0x0];
	s2 =	stileid.u32  }
0x49: {  	s1 =	rddreg [dreg:$0x1];
	p0 =	sne.s32 s2, $0x0  }
0x4a: {  	s3 =	rddreg [dreg:$0x2];
	[bflag:$0x3] =	sbarrier.arrive $0xFFFF;
	s2 =	simm.s32 @!p0 $0x1C02  }
0x4b: {  	[timem:s3], [sflag:s2] =	dma.local @!p0 [hbm:s0], s1  }
0x4c: {  	s0 =	simm.s32 @!p0 $0x2  }
0x4d: {  	_ =	swait.ge @!p0 [sflag:s0], s1  }
0x4e: {  	s1 =	ssub.s32 @!p0 $0x0, s1;
	[sflag:s0] =	ssyncset.done @!p0 $0x0  }
0x4f: {  	[sflag:s0] =	ssyncadd.s32 @!p0 s1  }
0x50: {  	[bflag:$0x3] =	sbarrier.arrive $0xFFFF  }
0x51: {  	_ =	shalt  }

</sc_bundles>
